<compile_context>
chip_gen: v7x
topology: tpu7x:2x2x1
jax: 0.10.2.dev20260603
libtpu: 0.0.44.dev20260713+nightly
codegen_flags: <defaults>
</compile_context>

<pallas_src>
import numpy as np
import jax
import jax.numpy as jnp
from jax import lax
from jax.experimental import pallas as pl
from jax.experimental.pallas import tpu as pltpu

_K = 4096
_N = 64 * 64 * 64
_BQ = 2048
_KT = 128
_T = _K // _KT
_GRID = _N // _BQ
_GJ = _GRID // _T
_G = 256

_dh = np.indices((64, 64)).reshape(2, -1).astype(np.float64) - 31.5
_RUN_PERM = np.argsort(np.arctan2(_dh[1], _dh[0]), kind="stable")
_RUN_INV = np.argsort(_RUN_PERM, kind="stable")

_COORDS = np.stack(
    np.meshgrid(np.arange(64), np.arange(64), np.arange(64), indexing="ij"),
    axis=-1,
).astype(np.float32).reshape(64 * 64, 64, 3)[_RUN_PERM].reshape(_N, 3)


def _scan_tile(t, p, tg, pg, ko, bm_ref, bi_ref):
    dt = t - tg
    dp = p - pg
    dist = dt * dt + dp * dp
    m = jnp.min(dist, axis=0, keepdims=True)
    idx = jnp.min(jnp.where(dist == m, ko, _K), axis=0, keepdims=True)
    bm = bm_ref[...]
    bi = bi_ref[...]
    upd = jnp.logical_or(m < bm, jnp.logical_and(m == bm, idx < bi))
    bm_ref[...] = jnp.where(upd, m, bm)
    bi_ref[...] = jnp.where(upd, idx, bi)


def _nn_body(qd_ref, kdp_ref, kip_ref, kdf_ref, kif_ref, tb_ref, tab_ref,
             out_ref, bm_ref, bi_ref):
    t = qd_ref[0:1, :]
    p = qd_ref[1:2, :]
    rho = qd_ref[2:3, :]
    B = t.shape[1]

    bm_ref[...] = jnp.full((1, B), jnp.inf, jnp.float32)
    bi_ref[...] = jnp.zeros((1, B), jnp.int32)

    _scan_tile(t, p, kdp_ref[:, 0:1], kdp_ref[:, 1:2], kip_ref[:, 0:1],
               bm_ref, bi_ref)

    tlo = tb_ref[:, 0:1]
    thi = tb_ref[:, 1:2]
    dpc = jnp.maximum(jnp.maximum(tlo - p, p - thi), 0.0)
    lb = (dpc * dpc) * (1.0 - 1e-5) - 1e-12
    cond = jnp.any(lb <= bm_ref[...], axis=1, keepdims=True)
    iota_t = lax.broadcasted_iota(jnp.int32, (_T, 1), 0)
    t_lo = jnp.min(jnp.where(cond, iota_t, _T))
    t_hi = jnp.max(jnp.where(cond, iota_t, -1))

    probe = pl.program_id(0)

    def tile_body(tk, _):
        start = pl.multiple_of(tk * _KT, _KT)
        _scan_tile(t, p,
                   kdf_ref[pl.ds(start, _KT), 0:1],
                   kdf_ref[pl.ds(start, _KT), 1:2],
                   kif_ref[pl.ds(start, _KT), 0:1],
                   bm_ref, bi_ref)
        return 0

    lax.fori_loop(t_lo, jnp.minimum(probe, t_hi + 1), tile_body, 0)
    lax.fori_loop(jnp.maximum(probe + 1, t_lo), t_hi + 1, tile_body, 0)

    best_i = bi_ref[...]
    hi = best_i >> 4
    lo = best_i & 15
    oh = (lax.broadcasted_iota(jnp.int32, (_G, B), 0) == hi).astype(jnp.float32)
    sel = lax.dot_general(tab_ref[...], oh, (((1,), (0,)), ((), ())),
                          preferred_element_type=jnp.float32)
    mask = (lax.broadcasted_iota(jnp.int32, (16, 4, B), 0) == lo[None, :, :])
    dsel = jnp.sum(sel.reshape(16, 4, B) * mask.astype(jnp.float32), axis=0)
    d_rho = dsel[0:1]
    d_th = dsel[1:2]
    d_ph = dsel[2:3]

    st = jnp.sin(t)
    ct = jnp.cos(t)
    sp = jnp.sin(p)
    cp = jnp.cos(p)
    a = rho * d_th
    b = rho * st * d_ph
    ox = d_rho * (st * cp) + a * (ct * cp) - b * sp
    oy = d_rho * (st * sp) + a * (ct * sp) + b * cp
    oz = d_rho * ct - a * st
    out_ref[...] = jnp.concatenate([ox, oy, oz], axis=0)


def kernel(spherical_displacement, grid_vertices, D, H, W):
    gx, gy, gz = grid_vertices.T
    r_ = jnp.sqrt(gx ** 2 + gy ** 2 + gz ** 2)
    theta_g = jnp.arccos(gz / jnp.maximum(r_, 1e-6))
    phi_g = jnp.arctan2(gy, gx)

    center = jnp.stack(
        [(D - 1) / 2.0, (H - 1) / 2.0, (W - 1) / 2.0]
    ).astype(jnp.float32)
    cc = jnp.asarray(_COORDS) - center
    x, y, z = cc.T
    rho = jnp.linalg.norm(cc, axis=1)
    theta = jnp.arccos(z / jnp.maximum(rho, 1e-6))
    phi = jnp.arctan2(y, x)
    qd = jnp.stack([theta, phi, rho, jnp.zeros_like(rho)], axis=0)

    phi_s, theta_s, ki_s = lax.sort(
        [phi_g, theta_g, jnp.arange(_K, dtype=jnp.int32)],
        num_keys=1, is_stable=False)
    kd = jnp.stack([theta_s, phi_s], axis=1)
    ki = ki_s[:, None]
    tb = jnp.stack([jnp.min(phi_s.reshape(_T, _KT), axis=1),
                    jnp.max(phi_s.reshape(_T, _KT), axis=1)], axis=1)

    tab = jnp.pad(spherical_displacement, ((0, 0), (0, 1)))
    tab = tab.reshape(_G, 16, 4).transpose(1, 2, 0).reshape(64, _G)

    out = pl.pallas_call(
        _nn_body,
        grid=(_T, _GJ),
        in_specs=[
            pl.BlockSpec((4, _BQ), lambda g, j: (0, g * _GJ + j)),
            pl.BlockSpec((_KT, 2), lambda g, j: (g, 0)),
            pl.BlockSpec((_KT, 1), lambda g, j: (g, 0)),
            pl.BlockSpec((_K, 2), lambda g, j: (0, 0)),
            pl.BlockSpec((_K, 1), lambda g, j: (0, 0)),
            pl.BlockSpec((_T, 2), lambda g, j: (0, 0)),
            pl.BlockSpec((64, _G), lambda g, j: (0, 0)),
        ],
        out_specs=pl.BlockSpec((3, _BQ), lambda g, j: (0, g * _GJ + j)),
        out_shape=jax.ShapeDtypeStruct((3, _N), jnp.float32),
        scratch_shapes=[
            pltpu.VMEM((1, _BQ), jnp.float32),
            pltpu.VMEM((1, _BQ), jnp.int32),
        ],
    )(qd, kd, ki, kd, ki, tb, tab)
    out = out.reshape(3, 64 * 64, 64)[:, _RUN_INV, :]
    return out.reshape(3, 64, 64, 64)

# --- scband reference (transcript-rebuilt; emitter-appended) ---
"""Pipeline reference for scband-spherical-to-cartesian-transform-19164144075052 (READ-ONLY COPY).

The authoritative reference and input builder live on the scoring server;
editing this copy changes nothing except your own understanding.
"""

import jax, jax.numpy as jnp
import numpy as np

K = 4096
D0, H0, W0 = 64, 64, 64
CHUNK = 8192


def setup_inputs(seed: int = 0) -> dict:
    key = jax.random.key(seed)
    k1, k2 = jax.random.split(key)
    gv = jax.random.normal(k1, (K, 3), dtype=jnp.float32)
    gv = gv / jnp.maximum(jnp.linalg.norm(gv, axis=1, keepdims=True), 1e-6)
    disp = jax.random.normal(k2, (K, 3), dtype=jnp.float32) * 0.1
    return {
        "spherical_displacement": disp,
        "grid_vertices": gv,
        "D": D0,
        "H": H0,
        "W": W0,
    }


def reference(spherical_displacement, grid_vertices, D, H, W):
    # ---- precompute (theta, phi) of grid vertices (done in __init__ in torch) ----
    gx, gy, gz = grid_vertices.T
    r_ = jnp.sqrt(gx ** 2 + gy ** 2 + gz ** 2)
    theta_g = jnp.arccos(gz / jnp.maximum(r_, 1e-6))
    phi_g = jnp.arctan2(gy, gx)

    # ---- voxel grid spherical coords ----
    coords = jnp.stack(
        jnp.meshgrid(jnp.arange(D0), jnp.arange(H0), jnp.arange(W0), indexing="ij"),
        axis=-1,
    ).astype(jnp.float32)
    center = jnp.stack(
        [(D - 1) / 2.0, (H - 1) / 2.0, (W - 1) / 2.0]
    ).astype(jnp.float32)
    cc = coords.reshape(-1, 3) - center
    x, y, z = cc.T
    rho = jnp.linalg.norm(cc, axis=1)
    theta = jnp.arccos(z / jnp.maximum(rho, 1e-6))
    phi = jnp.arctan2(y, x)

    num_voxels = D0 * H0 * W0
    n_chunks = num_voxels // CHUNK  # 64^3 / 8192 = 32, exact

    theta_c = theta.reshape(n_chunks, CHUNK)
    phi_c = phi.reshape(n_chunks, CHUNK)

    def chunk_fn(tp):
        t, p = tp
        dist = (t[:, None] - theta_g[None, :]) ** 2 + (p[:, None] - phi_g[None, :]) ** 2
        return jnp.argmin(dist, axis=1)

    nearest = jax.lax.map(chunk_fn, (theta_c, phi_c)).reshape(-1)
    nearest = jax.lax.stop_gradient(nearest)

    interp = jnp.take(spherical_displacement, nearest, axis=0)
    d_rho, d_theta, d_phi = interp.T

    st, ct = jnp.sin(theta), jnp.cos(theta)
    sp, cp = jnp.sin(phi), jnp.cos(phi)
    e_rho = jnp.stack([st * cp, st * sp, ct], axis=1)
    e_theta = jnp.stack([ct * cp, ct * sp, -st], axis=1)
    e_phi = jnp.stack([-sp, cp, jnp.zeros_like(phi)], axis=1)

    dxyz = (
        d_rho[:, None] * e_rho
        + (rho * d_theta)[:, None] * e_theta
        + (rho * st * d_phi)[:, None] * e_phi
    )
    return dxyz.reshape(D0, H0, W0, 3).transpose(3, 0, 1, 2)

if __name__ == "__main__":
    import jax
    _d = setup_inputs()
    print(jax.jit(kernel)(*tuple(_d.values())))

</pallas_src>

<mosaic_0001>
module attributes {stable_mosaic.version = 14 : i64} {
  func.func @_nn_body(%arg0: i32, %arg1: i32, %arg2: memref<4x2048xf32, #tpu.memory_space<vmem>>, %arg3: memref<128x2xf32, #tpu.memory_space<vmem>>, %arg4: memref<128x1xi32, #tpu.memory_space<vmem>>, %arg5: memref<4096x2xf32, #tpu.memory_space<vmem>>, %arg6: memref<4096x1xi32, #tpu.memory_space<vmem>>, %arg7: memref<32x2xf32, #tpu.memory_space<vmem>>, %arg8: memref<64x256xf32, #tpu.memory_space<vmem>>, %arg9: memref<3x2048xf32, #tpu.memory_space<vmem>>, %arg10: memref<1x2048xf32, #tpu.memory_space<vmem>>, %arg11: memref<1x2048xi32, #tpu.memory_space<vmem>>) attributes {dimension_semantics = [#tpu.dimension_semantics<arbitrary>, #tpu.dimension_semantics<arbitrary>], iteration_bounds = array<i64: 32, 4>, scalar_prefetch = 0 : i64, scratch_operands = 2 : i64, tpu.core_type = #tpu.core_type<tc>, window_params = [{transform_indices = @transform_0, window_bounds = array<i64: 4, 2048>}, {transform_indices = @transform_1, window_bounds = array<i64: 128, 2>}, {transform_indices = @transform_2, window_bounds = array<i64: 128, 1>}, {pipeline_mode = #tpu.pipeline_mode<synchronous>, transform_indices = @transform_3, window_bounds = array<i64: 4096, 2>}, {pipeline_mode = #tpu.pipeline_mode<synchronous>, transform_indices = @transform_4, window_bounds = array<i64: 4096, 1>}, {pipeline_mode = #tpu.pipeline_mode<synchronous>, transform_indices = @transform_5, window_bounds = array<i64: 32, 2>}, {pipeline_mode = #tpu.pipeline_mode<synchronous>, transform_indices = @transform_6, window_bounds = array<i64: 64, 256>}, {transform_indices = @transform_7, window_bounds = array<i64: 3, 2048>}]} {
    %get3A = arith.constant 0 : index
    %get3A_0 = arith.constant 0 : index
    %get3A_1 = vector.load %arg2[%get3A, %get3A_0] : memref<4x2048xf32, #tpu.memory_space<vmem>>, vector<1x2048xf32>
    %get3A_2 = arith.constant 1 : index
    %get3A_3 = arith.constant 0 : index
    %get3A_4 = vector.load %arg2[%get3A_2, %get3A_3] : memref<4x2048xf32, #tpu.memory_space<vmem>>, vector<1x2048xf32>
    %get3A_5 = arith.constant 2 : index
    %get3A_6 = arith.constant 0 : index
    %get3A_7 = vector.load %arg2[%get3A_5, %get3A_6] : memref<4x2048xf32, #tpu.memory_space<vmem>>, vector<1x2048xf32>
    %broadcast_in_dim3A = arith.constant 0x7F800000 : f32
    %broadcast_in_dim3A_8 = vector.broadcast %broadcast_in_dim3A : f32 to vector<1x2048xf32>
    %swap3A = arith.constant 0 : index
    %swap3A_9 = arith.constant 0 : index
    %swap3A_10 = vector.load %arg10[%swap3A, %swap3A_9] : memref<1x2048xf32, #tpu.memory_space<vmem>>, vector<1x2048xf32>
    tpu.vector_store %arg10[%swap3A, %swap3A_9], %broadcast_in_dim3A_8 {strides = array<i32>} : memref<1x2048xf32, #tpu.memory_space<vmem>>, vector<1x2048xf32>,
    %broadcast_in_dim3A_11 = arith.constant 0 : i32
    %broadcast_in_dim3A_12 = vector.broadcast %broadcast_in_dim3A_11 : i32 to vector<1x2048xi32>
    %swap3A_13 = arith.constant 0 : index
    %swap3A_14 = arith.constant 0 : index
    %swap3A_15 = vector.load %arg11[%swap3A_13, %swap3A_14] : memref<1x2048xi32, #tpu.memory_space<vmem>>, vector<1x2048xi32>
    tpu.vector_store %arg11[%swap3A_13, %swap3A_14], %broadcast_in_dim3A_12 {strides = array<i32>} : memref<1x2048xi32, #tpu.memory_space<vmem>>, vector<1x2048xi32>,
    %get3A_16 = arith.constant 0 : index
    %get3A_17 = arith.constant 0 : index
    %get3A_18 = vector.load %arg3[%get3A_16, %get3A_17] : memref<128x2xf32, #tpu.memory_space<vmem>>, vector<128x1xf32>
    %get3A_19 = arith.constant 0 : index
    %get3A_20 = arith.constant 1 : index
    %get3A_21 = vector.load %arg3[%get3A_19, %get3A_20] : memref<128x2xf32, #tpu.memory_space<vmem>>, vector<128x1xf32>
    %get3A_22 = arith.constant 0 : index
    %get3A_23 = arith.constant 0 : index
    %get3A_24 = vector.load %arg4[%get3A_22, %get3A_23] : memref<128x1xi32, #tpu.memory_space<vmem>>, vector<128x1xi32>
    %sub3A = vector.broadcast %get3A_1 : vector<1x2048xf32> to vector<128x2048xf32>
    %sub3A_25 = vector.broadcast %get3A_18 : vector<128x1xf32> to vector<128x2048xf32>
    %sub3A_26 = arith.subf %sub3A, %sub3A_25 : vector<128x2048xf32>
    %sub3A_27 = vector.broadcast %get3A_4 : vector<1x2048xf32> to vector<128x2048xf32>
    %sub3A_28 = vector.broadcast %get3A_21 : vector<128x1xf32> to vector<128x2048xf32>
    %sub3A_29 = arith.subf %sub3A_27, %sub3A_28 : vector<128x2048xf32>
    %mul3A = arith.mulf %sub3A_26, %sub3A_26 : vector<128x2048xf32>
    %mul3A_30 = arith.mulf %sub3A_29, %sub3A_29 : vector<128x2048xf32>
    %add3A = arith.addf %mul3A, %mul3A_30 : vector<128x2048xf32>
    %reduce_min3A = arith.constant dense<0x7F800000> : vector<2048xf32>
    %reduce_min3A_31 = vector.multi_reduction <minimumf>, %add3A, %reduce_min3A [0] : vector<128x2048xf32> to vector<2048xf32>
    %broadcast_in_dim3A_32 = vector.shape_cast %reduce_min3A_31 : vector<2048xf32> to vector<1x2048xf32>
    %eq3A = vector.broadcast %broadcast_in_dim3A_32 : vector<1x2048xf32> to vector<128x2048xf32>
    %eq3A_33 = arith.cmpf oeq, %add3A, %eq3A : vector<128x2048xf32>
    %jit3A = arith.constant 4096 : i32
    %broadcast_in_dim3A_34 = vector.shape_cast %get3A_24 : vector<128x1xi32> to vector<128x1xi32>
    %broadcast_in_dim3A_35 = vector.broadcast %broadcast_in_dim3A_34 : vector<128x1xi32> to vector<128x2048xi32>
    %broadcast_in_dim3A_36 = vector.broadcast %jit3A : i32 to vector<128x2048xi32>
    %select_n3A = arith.select %eq3A_33, %broadcast_in_dim3A_35, %broadcast_in_dim3A_36 : vector<128x2048xi1>, vector<128x2048xi32>
    %reduce_min3A_37 = arith.constant dense<2147483647> : vector<2048xi32>
    %reduce_min3A_38 = vector.multi_reduction <minsi>, %select_n3A, %reduce_min3A_37 [0] : vector<128x2048xi32> to vector<2048xi32>
    %broadcast_in_dim3A_39 = vector.shape_cast %reduce_min3A_38 : vector<2048xi32> to vector<1x2048xi32>
    %get3A_40 = arith.constant 0 : index
    %get3A_41 = arith.constant 0 : index
    %get3A_42 = vector.load %arg10[%get3A_40, %get3A_41] : memref<1x2048xf32, #tpu.memory_space<vmem>>, vector<1x2048xf32>
    %get3A_43 = arith.constant 0 : index
    %get3A_44 = arith.constant 0 : index
    %get3A_45 = vector.load %arg11[%get3A_43, %get3A_44] : memref<1x2048xi32, #tpu.memory_space<vmem>>, vector<1x2048xi32>
    %lt3A = arith.cmpf olt, %broadcast_in_dim3A_32, %get3A_42 : vector<1x2048xf32>
    %eq3A_46 = arith.cmpf oeq, %broadcast_in_dim3A_32, %get3A_42 : vector<1x2048xf32>
    %lt3A_47 = arith.cmpi slt, %broadcast_in_dim3A_39, %get3A_45 : vector<1x2048xi32>
    %and3A = arith.andi %eq3A_46, %lt3A_47 : vector<1x2048xi1>
    %or3A = arith.ori %lt3A, %and3A : vector<1x2048xi1>
    %select_n3A_48 = arith.select %or3A, %broadcast_in_dim3A_32, %get3A_42 : vector<1x2048xi1>, vector<1x2048xf32>
    %swap3A_49 = arith.constant 0 : index
    %swap3A_50 = arith.constant 0 : index
    %swap3A_51 = vector.load %arg10[%swap3A_49, %swap3A_50] : memref<1x2048xf32, #tpu.memory_space<vmem>>, vector<1x2048xf32>
    tpu.vector_store %arg10[%swap3A_49, %swap3A_50], %select_n3A_48 {strides = array<i32>} : memref<1x2048xf32, #tpu.memory_space<vmem>>, vector<1x2048xf32>,
    %select_n3A_52 = arith.select %or3A, %broadcast_in_dim3A_39, %get3A_45 : vector<1x2048xi1>, vector<1x2048xi32>
    %swap3A_53 = arith.constant 0 : index
    %swap3A_54 = arith.constant 0 : index
    %swap3A_55 = vector.load %arg11[%swap3A_53, %swap3A_54] : memref<1x2048xi32, #tpu.memory_space<vmem>>, vector<1x2048xi32>
    tpu.vector_store %arg11[%swap3A_53, %swap3A_54], %select_n3A_52 {strides = array<i32>} : memref<1x2048xi32, #tpu.memory_space<vmem>>, vector<1x2048xi32>,
    %get3A_56 = arith.constant 0 : index
    %get3A_57 = arith.constant 0 : index
    %get3A_58 = vector.load %arg7[%get3A_56, %get3A_57] : memref<32x2xf32, #tpu.memory_space<vmem>>, vector<32x1xf32>
    %get3A_59 = arith.constant 0 : index
    %get3A_60 = arith.constant 1 : index
    %get3A_61 = vector.load %arg7[%get3A_59, %get3A_60] : memref<32x2xf32, #tpu.memory_space<vmem>>, vector<32x1xf32>
    %sub3A_62 = vector.broadcast %get3A_58 : vector<32x1xf32> to vector<32x2048xf32>
    %sub3A_63 = vector.broadcast %get3A_4 : vector<1x2048xf32> to vector<32x2048xf32>
    %sub3A_64 = arith.subf %sub3A_62, %sub3A_63 : vector<32x2048xf32>
    %sub3A_65 = vector.broadcast %get3A_4 : vector<1x2048xf32> to vector<32x2048xf32>
    %sub3A_66 = vector.broadcast %get3A_61 : vector<32x1xf32> to vector<32x2048xf32>
    %sub3A_67 = arith.subf %sub3A_65, %sub3A_66 : vector<32x2048xf32>
    %max3A = arith.maximumf %sub3A_64, %sub3A_67 : vector<32x2048xf32>
    %max3A_68 = arith.constant 0.000000e+00 : f32
    %max3A_69 = vector.broadcast %max3A_68 : f32 to vector<32x2048xf32>
    %max3A_70 = arith.maximumf %max3A, %max3A_69 : vector<32x2048xf32>
    %mul3A_71 = arith.mulf %max3A_70, %max3A_70 : vector<32x2048xf32>
    %mul3A_72 = arith.constant 0.999989986 : f32
    %mul3A_73 = vector.broadcast %mul3A_72 : f32 to vector<32x2048xf32>
    %mul3A_74 = arith.mulf %mul3A_71, %mul3A_73 : vector<32x2048xf32>
    %sub3A_75 = arith.constant 9.99999996E-13 : f32
    %sub3A_76 = vector.broadcast %sub3A_75 : f32 to vector<32x2048xf32>
    %sub3A_77 = arith.subf %mul3A_74, %sub3A_76 : vector<32x2048xf32>
    %get3A_78 = arith.constant 0 : index
    %get3A_79 = arith.constant 0 : index
    %get3A_80 = vector.load %arg10[%get3A_78, %get3A_79] : memref<1x2048xf32, #tpu.memory_space<vmem>>, vector<1x2048xf32>
    %le3A = vector.broadcast %get3A_80 : vector<1x2048xf32> to vector<32x2048xf32>
    %le3A_81 = arith.cmpf ole, %sub3A_77, %le3A : vector<32x2048xf32>
    %reduce_or3A = arith.constant 1.000000e+00 : f32
    %reduce_or3A_82 = arith.constant 0.000000e+00 : f32
    %reduce_or3A_83 = vector.broadcast %reduce_or3A : f32 to vector<32x2048xf32>
    %reduce_or3A_84 = vector.broadcast %reduce_or3A_82 : f32 to vector<32x2048xf32>
    %reduce_or3A_85 = arith.select %le3A_81, %reduce_or3A_83, %reduce_or3A_84 : vector<32x2048xi1>, vector<32x2048xf32>
    %reduce_or3A_86 = arith.constant dense<0xFF800000> : vector<32xf32>
    %reduce_or3A_87 = vector.multi_reduction <maximumf>, %reduce_or3A_85, %reduce_or3A_86 [1] : vector<32x2048xf32> to vector<32xf32>
    %reduce_or3A_88 = arith.constant 0.000000e+00 : f32
    %reduce_or3A_89 = vector.broadcast %reduce_or3A_88 : f32 to vector<32xf32>
    %reduce_or3A_90 = arith.cmpf ogt, %reduce_or3A_87, %reduce_or3A_89 : vector<32xf32>
    %broadcast_in_dim3A_91 = vector.shape_cast %reduce_or3A_90 : vector<32xi1> to vector<32x1xi1>
    %iota3A = tpu.iota {dimensions = array<i32: 0>} : vector<32x1xi32>
    %jit3A_92 = arith.constant 32 : i32
    %broadcast_in_dim3A_93 = vector.broadcast %jit3A_92 : i32 to vector<32x1xi32>
    %select_n3A_94 = arith.select %broadcast_in_dim3A_91, %iota3A, %broadcast_in_dim3A_93 : vector<32x1xi1>, vector<32x1xi32>
    %reduce_min3A_95 = vector.shape_cast %select_n3A_94 : vector<32x1xi32> to vector<1x32x1xi32>
    %reduce_min3A_96 = arith.constant dense<2147483647> : vector<1xi32>
    %reduce_min3A_97 = vector.multi_reduction <minsi>, %reduce_min3A_95, %reduce_min3A_96 [1, 2] : vector<1x32x1xi32> to vector<1xi32>
    %reduce_min3A_98 = vector.shape_cast %reduce_min3A_97 : vector<1xi32> to vector<1x1x1xi32>
    %reduce_min3A_99 = vector.extract %reduce_min3A_98[0, 0, 0] : i32 from vector<1x1x1xi32>
    %jit3A_100 = arith.constant -1 : i32
    %broadcast_in_dim3A_101 = vector.broadcast %jit3A_100 : i32 to vector<32x1xi32>
    %select_n3A_102 = arith.select %broadcast_in_dim3A_91, %iota3A, %broadcast_in_dim3A_101 : vector<32x1xi1>, vector<32x1xi32>
    %reduce_max3A = vector.shape_cast %select_n3A_102 : vector<32x1xi32> to vector<1x32x1xi32>
    %reduce_max3A_103 = arith.constant dense<-2147483648> : vector<1xi32>
    %reduce_max3A_104 = vector.multi_reduction <maxsi>, %reduce_max3A, %reduce_max3A_103 [1, 2] : vector<1x32x1xi32> to vector<1xi32>
    %reduce_max3A_105 = vector.shape_cast %reduce_max3A_104 : vector<1xi32> to vector<1x1x1xi32>
    %reduce_max3A_106 = vector.extract %reduce_max3A_105[0, 0, 0] : i32 from vector<1x1x1xi32>
    %add3A_107 = arith.constant 1 : i32
    %add3A_108 = arith.addi %reduce_max3A_106, %add3A_107 : i32
    %min3A = arith.minsi %arg0, %add3A_108 : i32
    %while3A = arith.constant 0 : i32
    %while3A_109 = arith.subi %min3A, %reduce_min3A_99 : i32
    %while3A_110 = arith.addi %reduce_min3A_99, %while3A_109 : i32
    %while3A_111 = arith.constant 1 : i32
    %while3A_112 = arith.divsi %while3A_109, %while3A_111 : i32
    %while3A_113 = arith.muli %while3A_112, %while3A_111 : i32
    %while3A_114 = arith.addi %reduce_min3A_99, %while3A_113 : i32
    %while3A_115 = arith.constant 1 : i32
    %while3A_116 = scf.for %while3A_186 = %reduce_min3A_99 to %while3A_114 step %while3A_115 iter_args(%while3A_187 = %while3A) -> (i32)  : i32 {
      %mul3A_188 = arith.constant 128 : i32
      %mul3A_189 = arith.muli %while3A_186, %mul3A_188 : i32
      %multiple_of3A = tpu.assume_multiple %mul3A_189, 128 : i32
      %get3A_190 = arith.index_cast %multiple_of3A : i32 to index
      %get3A_191 = arith.constant 0 : index
      %get3A_192 = vector.load %arg5[%get3A_190, %get3A_191] : memref<4096x2xf32, #tpu.memory_space<vmem>>, vector<128x1xf32>
      %get3A_193 = arith.index_cast %multiple_of3A : i32 to index
      %get3A_194 = arith.constant 1 : index
      %get3A_195 = vector.load %arg5[%get3A_193, %get3A_194] : memref<4096x2xf32, #tpu.memory_space<vmem>>, vector<128x1xf32>
      %get3A_196 = arith.index_cast %multiple_of3A : i32 to index
      %get3A_197 = arith.constant 0 : index
      %get3A_198 = vector.load %arg6[%get3A_196, %get3A_197] : memref<4096x1xi32, #tpu.memory_space<vmem>>, vector<128x1xi32>
      %sub3A_199 = vector.broadcast %get3A_1 : vector<1x2048xf32> to vector<128x2048xf32>
      %sub3A_200 = vector.broadcast %get3A_192 : vector<128x1xf32> to vector<128x2048xf32>
      %sub3A_201 = arith.subf %sub3A_199, %sub3A_200 : vector<128x2048xf32>
      %sub3A_202 = vector.broadcast %get3A_4 : vector<1x2048xf32> to vector<128x2048xf32>
      %sub3A_203 = vector.broadcast %get3A_195 : vector<128x1xf32> to vector<128x2048xf32>
      %sub3A_204 = arith.subf %sub3A_202, %sub3A_203 : vector<128x2048xf32>
      %mul3A_205 = arith.mulf %sub3A_201, %sub3A_201 : vector<128x2048xf32>
      %mul3A_206 = arith.mulf %sub3A_204, %sub3A_204 : vector<128x2048xf32>
      %add3A_207 = arith.addf %mul3A_205, %mul3A_206 : vector<128x2048xf32>
      %reduce_min3A_208 = arith.constant dense<0x7F800000> : vector<2048xf32>
      %reduce_min3A_209 = vector.multi_reduction <minimumf>, %add3A_207, %reduce_min3A_208 [0] : vector<128x2048xf32> to vector<2048xf32>
      %broadcast_in_dim3A_210 = vector.shape_cast %reduce_min3A_209 : vector<2048xf32> to vector<1x2048xf32>
      %eq3A_211 = vector.broadcast %broadcast_in_dim3A_210 : vector<1x2048xf32> to vector<128x2048xf32>
      %eq3A_212 = arith.cmpf oeq, %add3A_207, %eq3A_211 : vector<128x2048xf32>
      %jit3A_213 = arith.constant 4096 : i32
      %broadcast_in_dim3A_214 = vector.shape_cast %get3A_198 : vector<128x1xi32> to vector<128x1xi32>
      %broadcast_in_dim3A_215 = vector.broadcast %broadcast_in_dim3A_214 : vector<128x1xi32> to vector<128x2048xi32>
      %broadcast_in_dim3A_216 = vector.broadcast %jit3A_213 : i32 to vector<128x2048xi32>
      %select_n3A_217 = arith.select %eq3A_212, %broadcast_in_dim3A_215, %broadcast_in_dim3A_216 : vector<128x2048xi1>, vector<128x2048xi32>
      %reduce_min3A_218 = arith.constant dense<2147483647> : vector<2048xi32>
      %reduce_min3A_219 = vector.multi_reduction <minsi>, %select_n3A_217, %reduce_min3A_218 [0] : vector<128x2048xi32> to vector<2048xi32>
      %broadcast_in_dim3A_220 = vector.shape_cast %reduce_min3A_219 : vector<2048xi32> to vector<1x2048xi32>
      %get3A_221 = arith.constant 0 : index
      %get3A_222 = arith.constant 0 : index
      %get3A_223 = vector.load %arg10[%get3A_221, %get3A_222] : memref<1x2048xf32, #tpu.memory_space<vmem>>, vector<1x2048xf32>
      %get3A_224 = arith.constant 0 : index
      %get3A_225 = arith.constant 0 : index
      %get3A_226 = vector.load %arg11[%get3A_224, %get3A_225] : memref<1x2048xi32, #tpu.memory_space<vmem>>, vector<1x2048xi32>
      %lt3A_227 = arith.cmpf olt, %broadcast_in_dim3A_210, %get3A_223 : vector<1x2048xf32>
      %eq3A_228 = arith.cmpf oeq, %broadcast_in_dim3A_210, %get3A_223 : vector<1x2048xf32>
      %lt3A_229 = arith.cmpi slt, %broadcast_in_dim3A_220, %get3A_226 : vector<1x2048xi32>
      %and3A_230 = arith.andi %eq3A_228, %lt3A_229 : vector<1x2048xi1>
      %or3A_231 = arith.ori %lt3A_227, %and3A_230 : vector<1x2048xi1>
      %select_n3A_232 = arith.select %or3A_231, %broadcast_in_dim3A_210, %get3A_223 : vector<1x2048xi1>, vector<1x2048xf32>
      %swap3A_233 = arith.constant 0 : index
      %swap3A_234 = arith.constant 0 : index
      %swap3A_235 = vector.load %arg10[%swap3A_233, %swap3A_234] : memref<1x2048xf32, #tpu.memory_space<vmem>>, vector<1x2048xf32>
      tpu.vector_store %arg10[%swap3A_233, %swap3A_234], %select_n3A_232 {strides = array<i32>} : memref<1x2048xf32, #tpu.memory_space<vmem>>, vector<1x2048xf32>,
      %select_n3A_236 = arith.select %or3A_231, %broadcast_in_dim3A_220, %get3A_226 : vector<1x2048xi1>, vector<1x2048xi32>
      %swap3A_237 = arith.constant 0 : index
      %swap3A_238 = arith.constant 0 : index
      %swap3A_239 = vector.load %arg11[%swap3A_237, %swap3A_238] : memref<1x2048xi32, #tpu.memory_space<vmem>>, vector<1x2048xi32>
      tpu.vector_store %arg11[%swap3A_237, %swap3A_238], %select_n3A_236 {strides = array<i32>} : memref<1x2048xi32, #tpu.memory_space<vmem>>, vector<1x2048xi32>,
      %while3A_240 = arith.constant 0 : i32
      scf.yield %while3A_240 : i32
    }
    %while3A_117 = arith.constant 1 : i32
    %while3A_118 = scf.for %while3A_186 = %while3A_114 to %while3A_110 step %while3A_117 iter_args(%while3A_187 = %while3A_116) -> (i32)  : i32 {
      %mul3A_188 = arith.constant 128 : i32
      %mul3A_189 = arith.muli %while3A_186, %mul3A_188 : i32
      %multiple_of3A = tpu.assume_multiple %mul3A_189, 128 : i32
      %get3A_190 = arith.index_cast %multiple_of3A : i32 to index
      %get3A_191 = arith.constant 0 : index
      %get3A_192 = vector.load %arg5[%get3A_190, %get3A_191] : memref<4096x2xf32, #tpu.memory_space<vmem>>, vector<128x1xf32>
      %get3A_193 = arith.index_cast %multiple_of3A : i32 to index
      %get3A_194 = arith.constant 1 : index
      %get3A_195 = vector.load %arg5[%get3A_193, %get3A_194] : memref<4096x2xf32, #tpu.memory_space<vmem>>, vector<128x1xf32>
      %get3A_196 = arith.index_cast %multiple_of3A : i32 to index
      %get3A_197 = arith.constant 0 : index
      %get3A_198 = vector.load %arg6[%get3A_196, %get3A_197] : memref<4096x1xi32, #tpu.memory_space<vmem>>, vector<128x1xi32>
      %sub3A_199 = vector.broadcast %get3A_1 : vector<1x2048xf32> to vector<128x2048xf32>
      %sub3A_200 = vector.broadcast %get3A_192 : vector<128x1xf32> to vector<128x2048xf32>
      %sub3A_201 = arith.subf %sub3A_199, %sub3A_200 : vector<128x2048xf32>
      %sub3A_202 = vector.broadcast %get3A_4 : vector<1x2048xf32> to vector<128x2048xf32>
      %sub3A_203 = vector.broadcast %get3A_195 : vector<128x1xf32> to vector<128x2048xf32>
      %sub3A_204 = arith.subf %sub3A_202, %sub3A_203 : vector<128x2048xf32>
      %mul3A_205 = arith.mulf %sub3A_201, %sub3A_201 : vector<128x2048xf32>
      %mul3A_206 = arith.mulf %sub3A_204, %sub3A_204 : vector<128x2048xf32>
      %add3A_207 = arith.addf %mul3A_205, %mul3A_206 : vector<128x2048xf32>
      %reduce_min3A_208 = arith.constant dense<0x7F800000> : vector<2048xf32>
      %reduce_min3A_209 = vector.multi_reduction <minimumf>, %add3A_207, %reduce_min3A_208 [0] : vector<128x2048xf32> to vector<2048xf32>
      %broadcast_in_dim3A_210 = vector.shape_cast %reduce_min3A_209 : vector<2048xf32> to vector<1x2048xf32>
      %eq3A_211 = vector.broadcast %broadcast_in_dim3A_210 : vector<1x2048xf32> to vector<128x2048xf32>
      %eq3A_212 = arith.cmpf oeq, %add3A_207, %eq3A_211 : vector<128x2048xf32>
      %jit3A_213 = arith.constant 4096 : i32
      %broadcast_in_dim3A_214 = vector.shape_cast %get3A_198 : vector<128x1xi32> to vector<128x1xi32>
      %broadcast_in_dim3A_215 = vector.broadcast %broadcast_in_dim3A_214 : vector<128x1xi32> to vector<128x2048xi32>
      %broadcast_in_dim3A_216 = vector.broadcast %jit3A_213 : i32 to vector<128x2048xi32>
      %select_n3A_217 = arith.select %eq3A_212, %broadcast_in_dim3A_215, %broadcast_in_dim3A_216 : vector<128x2048xi1>, vector<128x2048xi32>
      %reduce_min3A_218 = arith.constant dense<2147483647> : vector<2048xi32>
      %reduce_min3A_219 = vector.multi_reduction <minsi>, %select_n3A_217, %reduce_min3A_218 [0] : vector<128x2048xi32> to vector<2048xi32>
      %broadcast_in_dim3A_220 = vector.shape_cast %reduce_min3A_219 : vector<2048xi32> to vector<1x2048xi32>
      %get3A_221 = arith.constant 0 : index
      %get3A_222 = arith.constant 0 : index
      %get3A_223 = vector.load %arg10[%get3A_221, %get3A_222] : memref<1x2048xf32, #tpu.memory_space<vmem>>, vector<1x2048xf32>
      %get3A_224 = arith.constant 0 : index
      %get3A_225 = arith.constant 0 : index
      %get3A_226 = vector.load %arg11[%get3A_224, %get3A_225] : memref<1x2048xi32, #tpu.memory_space<vmem>>, vector<1x2048xi32>
      %lt3A_227 = arith.cmpf olt, %broadcast_in_dim3A_210, %get3A_223 : vector<1x2048xf32>
      %eq3A_228 = arith.cmpf oeq, %broadcast_in_dim3A_210, %get3A_223 : vector<1x2048xf32>
      %lt3A_229 = arith.cmpi slt, %broadcast_in_dim3A_220, %get3A_226 : vector<1x2048xi32>
      %and3A_230 = arith.andi %eq3A_228, %lt3A_229 : vector<1x2048xi1>
      %or3A_231 = arith.ori %lt3A_227, %and3A_230 : vector<1x2048xi1>
      %select_n3A_232 = arith.select %or3A_231, %broadcast_in_dim3A_210, %get3A_223 : vector<1x2048xi1>, vector<1x2048xf32>
      %swap3A_233 = arith.constant 0 : index
      %swap3A_234 = arith.constant 0 : index
      %swap3A_235 = vector.load %arg10[%swap3A_233, %swap3A_234] : memref<1x2048xf32, #tpu.memory_space<vmem>>, vector<1x2048xf32>
      tpu.vector_store %arg10[%swap3A_233, %swap3A_234], %select_n3A_232 {strides = array<i32>} : memref<1x2048xf32, #tpu.memory_space<vmem>>, vector<1x2048xf32>,
      %select_n3A_236 = arith.select %or3A_231, %broadcast_in_dim3A_220, %get3A_226 : vector<1x2048xi1>, vector<1x2048xi32>
      %swap3A_237 = arith.constant 0 : index
      %swap3A_238 = arith.constant 0 : index
      %swap3A_239 = vector.load %arg11[%swap3A_237, %swap3A_238] : memref<1x2048xi32, #tpu.memory_space<vmem>>, vector<1x2048xi32>
      tpu.vector_store %arg11[%swap3A_237, %swap3A_238], %select_n3A_236 {strides = array<i32>} : memref<1x2048xi32, #tpu.memory_space<vmem>>, vector<1x2048xi32>,
      %while3A_240 = arith.constant 0 : i32
      scf.yield %while3A_240 : i32
    }
    %add3A_119 = arith.constant 1 : i32
    %add3A_120 = arith.addi %arg0, %add3A_119 : i32
    %max3A_121 = arith.maxsi %add3A_120, %reduce_min3A_99 : i32
    %add3A_122 = arith.constant 1 : i32
    %add3A_123 = arith.addi %reduce_max3A_106, %add3A_122 : i32
    %while3A_124 = arith.constant 0 : i32
    %while3A_125 = arith.subi %add3A_123, %max3A_121 : i32
    %while3A_126 = arith.addi %max3A_121, %while3A_125 : i32
    %while3A_127 = arith.constant 1 : i32
    %while3A_128 = arith.divsi %while3A_125, %while3A_127 : i32
    %while3A_129 = arith.muli %while3A_128, %while3A_127 : i32
    %while3A_130 = arith.addi %max3A_121, %while3A_129 : i32
    %while3A_131 = arith.constant 1 : i32
    %while3A_132 = scf.for %while3A_186 = %max3A_121 to %while3A_130 step %while3A_131 iter_args(%while3A_187 = %while3A_124) -> (i32)  : i32 {
      %mul3A_188 = arith.constant 128 : i32
      %mul3A_189 = arith.muli %while3A_186, %mul3A_188 : i32
      %multiple_of3A = tpu.assume_multiple %mul3A_189, 128 : i32
      %get3A_190 = arith.index_cast %multiple_of3A : i32 to index
      %get3A_191 = arith.constant 0 : index
      %get3A_192 = vector.load %arg5[%get3A_190, %get3A_191] : memref<4096x2xf32, #tpu.memory_space<vmem>>, vector<128x1xf32>
      %get3A_193 = arith.index_cast %multiple_of3A : i32 to index
      %get3A_194 = arith.constant 1 : index
      %get3A_195 = vector.load %arg5[%get3A_193, %get3A_194] : memref<4096x2xf32, #tpu.memory_space<vmem>>, vector<128x1xf32>
      %get3A_196 = arith.index_cast %multiple_of3A : i32 to index
      %get3A_197 = arith.constant 0 : index
      %get3A_198 = vector.load %arg6[%get3A_196, %get3A_197] : memref<4096x1xi32, #tpu.memory_space<vmem>>, vector<128x1xi32>
      %sub3A_199 = vector.broadcast %get3A_1 : vector<1x2048xf32> to vector<128x2048xf32>
      %sub3A_200 = vector.broadcast %get3A_192 : vector<128x1xf32> to vector<128x2048xf32>
      %sub3A_201 = arith.subf %sub3A_199, %sub3A_200 : vector<128x2048xf32>
      %sub3A_202 = vector.broadcast %get3A_4 : vector<1x2048xf32> to vector<128x2048xf32>
      %sub3A_203 = vector.broadcast %get3A_195 : vector<128x1xf32> to vector<128x2048xf32>
      %sub3A_204 = arith.subf %sub3A_202, %sub3A_203 : vector<128x2048xf32>
      %mul3A_205 = arith.mulf %sub3A_201, %sub3A_201 : vector<128x2048xf32>
      %mul3A_206 = arith.mulf %sub3A_204, %sub3A_204 : vector<128x2048xf32>
      %add3A_207 = arith.addf %mul3A_205, %mul3A_206 : vector<128x2048xf32>
      %reduce_min3A_208 = arith.constant dense<0x7F800000> : vector<2048xf32>
      %reduce_min3A_209 = vector.multi_reduction <minimumf>, %add3A_207, %reduce_min3A_208 [0] : vector<128x2048xf32> to vector<2048xf32>
      %broadcast_in_dim3A_210 = vector.shape_cast %reduce_min3A_209 : vector<2048xf32> to vector<1x2048xf32>
      %eq3A_211 = vector.broadcast %broadcast_in_dim3A_210 : vector<1x2048xf32> to vector<128x2048xf32>
      %eq3A_212 = arith.cmpf oeq, %add3A_207, %eq3A_211 : vector<128x2048xf32>
      %jit3A_213 = arith.constant 4096 : i32
      %broadcast_in_dim3A_214 = vector.shape_cast %get3A_198 : vector<128x1xi32> to vector<128x1xi32>
      %broadcast_in_dim3A_215 = vector.broadcast %broadcast_in_dim3A_214 : vector<128x1xi32> to vector<128x2048xi32>
      %broadcast_in_dim3A_216 = vector.broadcast %jit3A_213 : i32 to vector<128x2048xi32>
      %select_n3A_217 = arith.select %eq3A_212, %broadcast_in_dim3A_215, %broadcast_in_dim3A_216 : vector<128x2048xi1>, vector<128x2048xi32>
      %reduce_min3A_218 = arith.constant dense<2147483647> : vector<2048xi32>
      %reduce_min3A_219 = vector.multi_reduction <minsi>, %select_n3A_217, %reduce_min3A_218 [0] : vector<128x2048xi32> to vector<2048xi32>
      %broadcast_in_dim3A_220 = vector.shape_cast %reduce_min3A_219 : vector<2048xi32> to vector<1x2048xi32>
      %get3A_221 = arith.constant 0 : index
      %get3A_222 = arith.constant 0 : index
      %get3A_223 = vector.load %arg10[%get3A_221, %get3A_222] : memref<1x2048xf32, #tpu.memory_space<vmem>>, vector<1x2048xf32>
      %get3A_224 = arith.constant 0 : index
      %get3A_225 = arith.constant 0 : index
      %get3A_226 = vector.load %arg11[%get3A_224, %get3A_225] : memref<1x2048xi32, #tpu.memory_space<vmem>>, vector<1x2048xi32>
      %lt3A_227 = arith.cmpf olt, %broadcast_in_dim3A_210, %get3A_223 : vector<1x2048xf32>
      %eq3A_228 = arith.cmpf oeq, %broadcast_in_dim3A_210, %get3A_223 : vector<1x2048xf32>
      %lt3A_229 = arith.cmpi slt, %broadcast_in_dim3A_220, %get3A_226 : vector<1x2048xi32>
      %and3A_230 = arith.andi %eq3A_228, %lt3A_229 : vector<1x2048xi1>
      %or3A_231 = arith.ori %lt3A_227, %and3A_230 : vector<1x2048xi1>
      %select_n3A_232 = arith.select %or3A_231, %broadcast_in_dim3A_210, %get3A_223 : vector<1x2048xi1>, vector<1x2048xf32>
      %swap3A_233 = arith.constant 0 : index
      %swap3A_234 = arith.constant 0 : index
      %swap3A_235 = vector.load %arg10[%swap3A_233, %swap3A_234] : memref<1x2048xf32, #tpu.memory_space<vmem>>, vector<1x2048xf32>
      tpu.vector_store %arg10[%swap3A_233, %swap3A_234], %select_n3A_232 {strides = array<i32>} : memref<1x2048xf32, #tpu.memory_space<vmem>>, vector<1x2048xf32>,
      %select_n3A_236 = arith.select %or3A_231, %broadcast_in_dim3A_220, %get3A_226 : vector<1x2048xi1>, vector<1x2048xi32>
      %swap3A_237 = arith.constant 0 : index
      %swap3A_238 = arith.constant 0 : index
      %swap3A_239 = vector.load %arg11[%swap3A_237, %swap3A_238] : memref<1x2048xi32, #tpu.memory_space<vmem>>, vector<1x2048xi32>
      tpu.vector_store %arg11[%swap3A_237, %swap3A_238], %select_n3A_236 {strides = array<i32>} : memref<1x2048xi32, #tpu.memory_space<vmem>>, vector<1x2048xi32>,
      %while3A_240 = arith.constant 0 : i32
      scf.yield %while3A_240 : i32
    }
    %while3A_133 = arith.constant 1 : i32
    %while3A_134 = scf.for %while3A_186 = %while3A_130 to %while3A_126 step %while3A_133 iter_args(%while3A_187 = %while3A_132) -> (i32)  : i32 {
      %mul3A_188 = arith.constant 128 : i32
      %mul3A_189 = arith.muli %while3A_186, %mul3A_188 : i32
      %multiple_of3A = tpu.assume_multiple %mul3A_189, 128 : i32
      %get3A_190 = arith.index_cast %multiple_of3A : i32 to index
      %get3A_191 = arith.constant 0 : index
      %get3A_192 = vector.load %arg5[%get3A_190, %get3A_191] : memref<4096x2xf32, #tpu.memory_space<vmem>>, vector<128x1xf32>
      %get3A_193 = arith.index_cast %multiple_of3A : i32 to index
      %get3A_194 = arith.constant 1 : index
      %get3A_195 = vector.load %arg5[%get3A_193, %get3A_194] : memref<4096x2xf32, #tpu.memory_space<vmem>>, vector<128x1xf32>
      %get3A_196 = arith.index_cast %multiple_of3A : i32 to index
      %get3A_197 = arith.constant 0 : index
      %get3A_198 = vector.load %arg6[%get3A_196, %get3A_197] : memref<4096x1xi32, #tpu.memory_space<vmem>>, vector<128x1xi32>
      %sub3A_199 = vector.broadcast %get3A_1 : vector<1x2048xf32> to vector<128x2048xf32>
      %sub3A_200 = vector.broadcast %get3A_192 : vector<128x1xf32> to vector<128x2048xf32>
      %sub3A_201 = arith.subf %sub3A_199, %sub3A_200 : vector<128x2048xf32>
      %sub3A_202 = vector.broadcast %get3A_4 : vector<1x2048xf32> to vector<128x2048xf32>
      %sub3A_203 = vector.broadcast %get3A_195 : vector<128x1xf32> to vector<128x2048xf32>
      %sub3A_204 = arith.subf %sub3A_202, %sub3A_203 : vector<128x2048xf32>
      %mul3A_205 = arith.mulf %sub3A_201, %sub3A_201 : vector<128x2048xf32>
      %mul3A_206 = arith.mulf %sub3A_204, %sub3A_204 : vector<128x2048xf32>
      %add3A_207 = arith.addf %mul3A_205, %mul3A_206 : vector<128x2048xf32>
      %reduce_min3A_208 = arith.constant dense<0x7F800000> : vector<2048xf32>
      %reduce_min3A_209 = vector.multi_reduction <minimumf>, %add3A_207, %reduce_min3A_208 [0] : vector<128x2048xf32> to vector<2048xf32>
      %broadcast_in_dim3A_210 = vector.shape_cast %reduce_min3A_209 : vector<2048xf32> to vector<1x2048xf32>
      %eq3A_211 = vector.broadcast %broadcast_in_dim3A_210 : vector<1x2048xf32> to vector<128x2048xf32>
      %eq3A_212 = arith.cmpf oeq, %add3A_207, %eq3A_211 : vector<128x2048xf32>
      %jit3A_213 = arith.constant 4096 : i32
      %broadcast_in_dim3A_214 = vector.shape_cast %get3A_198 : vector<128x1xi32> to vector<128x1xi32>
      %broadcast_in_dim3A_215 = vector.broadcast %broadcast_in_dim3A_214 : vector<128x1xi32> to vector<128x2048xi32>
      %broadcast_in_dim3A_216 = vector.broadcast %jit3A_213 : i32 to vector<128x2048xi32>
      %select_n3A_217 = arith.select %eq3A_212, %broadcast_in_dim3A_215, %broadcast_in_dim3A_216 : vector<128x2048xi1>, vector<128x2048xi32>
      %reduce_min3A_218 = arith.constant dense<2147483647> : vector<2048xi32>
      %reduce_min3A_219 = vector.multi_reduction <minsi>, %select_n3A_217, %reduce_min3A_218 [0] : vector<128x2048xi32> to vector<2048xi32>
      %broadcast_in_dim3A_220 = vector.shape_cast %reduce_min3A_219 : vector<2048xi32> to vector<1x2048xi32>
      %get3A_221 = arith.constant 0 : index
      %get3A_222 = arith.constant 0 : index
      %get3A_223 = vector.load %arg10[%get3A_221, %get3A_222] : memref<1x2048xf32, #tpu.memory_space<vmem>>, vector<1x2048xf32>
      %get3A_224 = arith.constant 0 : index
      %get3A_225 = arith.constant 0 : index
      %get3A_226 = vector.load %arg11[%get3A_224, %get3A_225] : memref<1x2048xi32, #tpu.memory_space<vmem>>, vector<1x2048xi32>
      %lt3A_227 = arith.cmpf olt, %broadcast_in_dim3A_210, %get3A_223 : vector<1x2048xf32>
      %eq3A_228 = arith.cmpf oeq, %broadcast_in_dim3A_210, %get3A_223 : vector<1x2048xf32>
      %lt3A_229 = arith.cmpi slt, %broadcast_in_dim3A_220, %get3A_226 : vector<1x2048xi32>
      %and3A_230 = arith.andi %eq3A_228, %lt3A_229 : vector<1x2048xi1>
      %or3A_231 = arith.ori %lt3A_227, %and3A_230 : vector<1x2048xi1>
      %select_n3A_232 = arith.select %or3A_231, %broadcast_in_dim3A_210, %get3A_223 : vector<1x2048xi1>, vector<1x2048xf32>
      %swap3A_233 = arith.constant 0 : index
      %swap3A_234 = arith.constant 0 : index
      %swap3A_235 = vector.load %arg10[%swap3A_233, %swap3A_234] : memref<1x2048xf32, #tpu.memory_space<vmem>>, vector<1x2048xf32>
      tpu.vector_store %arg10[%swap3A_233, %swap3A_234], %select_n3A_232 {strides = array<i32>} : memref<1x2048xf32, #tpu.memory_space<vmem>>, vector<1x2048xf32>,
      %select_n3A_236 = arith.select %or3A_231, %broadcast_in_dim3A_220, %get3A_226 : vector<1x2048xi1>, vector<1x2048xi32>
      %swap3A_237 = arith.constant 0 : index
      %swap3A_238 = arith.constant 0 : index
      %swap3A_239 = vector.load %arg11[%swap3A_237, %swap3A_238] : memref<1x2048xi32, #tpu.memory_space<vmem>>, vector<1x2048xi32>
      tpu.vector_store %arg11[%swap3A_237, %swap3A_238], %select_n3A_236 {strides = array<i32>} : memref<1x2048xi32, #tpu.memory_space<vmem>>, vector<1x2048xi32>,
      %while3A_240 = arith.constant 0 : i32
      scf.yield %while3A_240 : i32
    }
    %get3A_135 = arith.constant 0 : index
    %get3A_136 = arith.constant 0 : index
    %get3A_137 = vector.load %arg11[%get3A_135, %get3A_136] : memref<1x2048xi32, #tpu.memory_space<vmem>>, vector<1x2048xi32>
    %shift_right_arithmetic3A = arith.constant 4 : i32
    %shift_right_arithmetic3A_138 = vector.broadcast %shift_right_arithmetic3A : i32 to vector<1x2048xi32>
    %shift_right_arithmetic3A_139 = arith.shrsi %get3A_137, %shift_right_arithmetic3A_138 : vector<1x2048xi32>
    %and3A_140 = arith.constant 15 : i32
    %and3A_141 = vector.broadcast %and3A_140 : i32 to vector<1x2048xi32>
    %and3A_142 = arith.andi %get3A_137, %and3A_141 : vector<1x2048xi32>
    %iota3A_143 = tpu.iota {dimensions = array<i32: 0>} : vector<256x2048xi32>
    %eq3A_144 = vector.broadcast %shift_right_arithmetic3A_139 : vector<1x2048xi32> to vector<256x2048xi32>
    %eq3A_145 = arith.cmpi eq, %iota3A_143, %eq3A_144 : vector<256x2048xi32>
    %convert_element_type3A = arith.extui %eq3A_145 : vector<256x2048xi1> to vector<256x2048xi32>
    %convert_element_type3A_146 = arith.sitofp %convert_element_type3A : vector<256x2048xi32> to vector<256x2048xf32>
    %get3A_147 = arith.constant 0 : index
    %get3A_148 = arith.constant 0 : index
    %get3A_149 = vector.load %arg8[%get3A_147, %get3A_148] : memref<64x256xf32, #tpu.memory_space<vmem>>, vector<64x256xf32>
    %dot_general3A = arith.constant dense<0.000000e+00> : vector<64x2048xf32>
    %dot_general3A_150 = tpu.matmul %get3A_149, %convert_element_type3A_146, %dot_general3A {dimension_numbers = #tpu.dot_dimension_numbers<[1], [0], [0], [1], [0, 0, 1, 1], [], []>, transpose_lhs_hint = false} : vector<64x256xf32>, vector<256x2048xf32>, vector<64x2048xf32> -> vector<64x2048xf32>
    %iota3A_151 = tpu.iota {dimensions = array<i32: 0>} : vector<16x4x2048xi32>
    %broadcast_in_dim3A_152 = vector.shape_cast %and3A_142 : vector<1x2048xi32> to vector<1x1x2048xi32>
    %eq3A_153 = vector.broadcast %broadcast_in_dim3A_152 : vector<1x1x2048xi32> to vector<16x4x2048xi32>
    %eq3A_154 = arith.cmpi eq, %iota3A_151, %eq3A_153 : vector<16x4x2048xi32>
    %reshape3A = vector.shape_cast %dot_general3A_150 : vector<64x2048xf32> to vector<16x4x2048xf32>
    %convert_element_type3A_155 = arith.extui %eq3A_154 : vector<16x4x2048xi1> to vector<16x4x2048xi32>
    %convert_element_type3A_156 = arith.sitofp %convert_element_type3A_155 : vector<16x4x2048xi32> to vector<16x4x2048xf32>
    %mul3A_157 = arith.mulf %reshape3A, %convert_element_type3A_156 : vector<16x4x2048xf32>
    %reduce_sum3A = arith.constant dense<0.000000e+00> : vector<4x2048xf32>
    %reduce_sum3A_158 = vector.multi_reduction <add>, %mul3A_157, %reduce_sum3A [0] : vector<16x4x2048xf32> to vector<4x2048xf32>
    %slice3A = vector.extract_strided_slice %reduce_sum3A_158 {offsets = [0, 0], sizes = [1, 2048], strides = [1, 1]} : vector<4x2048xf32> to vector<1x2048xf32>
    %slice3A_159 = vector.extract_strided_slice %reduce_sum3A_158 {offsets = [1, 0], sizes = [1, 2048], strides = [1, 1]} : vector<4x2048xf32> to vector<1x2048xf32>
    %slice3A_160 = vector.extract_strided_slice %reduce_sum3A_158 {offsets = [2, 0], sizes = [1, 2048], strides = [1, 1]} : vector<4x2048xf32> to vector<1x2048xf32>
    %sin3A = math.sin %get3A_1 : vector<1x2048xf32>
    %cos3A = math.cos %get3A_1 : vector<1x2048xf32>
    %sin3A_161 = math.sin %get3A_4 : vector<1x2048xf32>
    %cos3A_162 = math.cos %get3A_4 : vector<1x2048xf32>
    %mul3A_163 = arith.mulf %get3A_7, %slice3A_159 : vector<1x2048xf32>
    %mul3A_164 = arith.mulf %get3A_7, %sin3A : vector<1x2048xf32>
    %mul3A_165 = arith.mulf %mul3A_164, %slice3A_160 : vector<1x2048xf32>
    %mul3A_166 = arith.mulf %sin3A, %cos3A_162 : vector<1x2048xf32>
    %mul3A_167 = arith.mulf %slice3A, %mul3A_166 : vector<1x2048xf32>
    %mul3A_168 = arith.mulf %cos3A, %cos3A_162 : vector<1x2048xf32>
    %mul3A_169 = arith.mulf %mul3A_163, %mul3A_168 : vector<1x2048xf32>
    %add3A_170 = arith.addf %mul3A_167, %mul3A_169 : vector<1x2048xf32>
    %mul3A_171 = arith.mulf %mul3A_165, %sin3A_161 : vector<1x2048xf32>
    %sub3A_172 = arith.subf %add3A_170, %mul3A_171 : vector<1x2048xf32>
    %mul3A_173 = arith.mulf %sin3A, %sin3A_161 : vector<1x2048xf32>
    %mul3A_174 = arith.mulf %slice3A, %mul3A_173 : vector<1x2048xf32>
    %mul3A_175 = arith.mulf %cos3A, %sin3A_161 : vector<1x2048xf32>
    %mul3A_176 = arith.mulf %mul3A_163, %mul3A_175 : vector<1x2048xf32>
    %add3A_177 = arith.addf %mul3A_174, %mul3A_176 : vector<1x2048xf32>
    %mul3A_178 = arith.mulf %mul3A_165, %cos3A_162 : vector<1x2048xf32>
    %add3A_179 = arith.addf %add3A_177, %mul3A_178 : vector<1x2048xf32>
    %mul3A_180 = arith.mulf %slice3A, %cos3A : vector<1x2048xf32>
    %mul3A_181 = arith.mulf %mul3A_163, %sin3A : vector<1x2048xf32>
    %sub3A_182 = arith.subf %mul3A_180, %mul3A_181 : vector<1x2048xf32>
    %concatenate3A = tpu.concatenate %sub3A_172, %add3A_179, %sub3A_182 in 0 : vector<1x2048xf32>, vector<1x2048xf32>, vector<1x2048xf32> -> vector<3x2048xf32>
    %swap3A_183 = arith.constant 0 : index
    %swap3A_184 = arith.constant 0 : index
    %swap3A_185 = vector.load %arg9[%swap3A_183, %swap3A_184] : memref<3x2048xf32, #tpu.memory_space<vmem>>, vector<3x2048xf32>
    tpu.vector_store %arg9[%swap3A_183, %swap3A_184], %concatenate3A {strides = array<i32>} : memref<3x2048xf32, #tpu.memory_space<vmem>>, vector<3x2048xf32>,
    return
  }
  func.func @transform_0(%arg0: i32, %arg1: i32) -> (i32, i32) {
    %mul3A = arith.constant 4 : i32
    %mul3A_0 = arith.muli %arg0, %mul3A : i32
    %add3A = arith.addi %mul3A_0, %arg1 : i32
    %c0_i32 = arith.constant 0 : i32
    %c0_i32_1 = arith.constant 0 : i32
    return %c0_i32, %add3A : i32, i32
  }
  func.func @transform_1(%arg0: i32, %arg1: i32) -> (i32, i32) {
    %c0_i32 = arith.constant 0 : i32
    %c0_i32_0 = arith.constant 0 : i32
    return %arg0, %c0_i32 : i32, i32
  }
  func.func @transform_2(%arg0: i32, %arg1: i32) -> (i32, i32) {
    %c0_i32 = arith.constant 0 : i32
    %c0_i32_0 = arith.constant 0 : i32
    return %arg0, %c0_i32 : i32, i32
  }
  func.func @transform_3(%arg0: i32, %arg1: i32) -> (i32, i32) {
    %c0_i32 = arith.constant 0 : i32
    %c0_i32_0 = arith.constant 0 : i32
    %c0_i32_1 = arith.constant 0 : i32
    return %c0_i32, %c0_i32_0 : i32, i32
  }
  func.func @transform_4(%arg0: i32, %arg1: i32) -> (i32, i32) {
    %c0_i32 = arith.constant 0 : i32
    %c0_i32_0 = arith.constant 0 : i32
    %c0_i32_1 = arith.constant 0 : i32
    return %c0_i32, %c0_i32_0 : i32, i32
  }
  func.func @transform_5(%arg0: i32, %arg1: i32) -> (i32, i32) {
    %c0_i32 = arith.constant 0 : i32
    %c0_i32_0 = arith.constant 0 : i32
    %c0_i32_1 = arith.constant 0 : i32
    return %c0_i32, %c0_i32_0 : i32, i32
  }
  func.func @transform_6(%arg0: i32, %arg1: i32) -> (i32, i32) {
    %c0_i32 = arith.constant 0 : i32
    %c0_i32_0 = arith.constant 0 : i32
    %c0_i32_1 = arith.constant 0 : i32
    return %c0_i32, %c0_i32_0 : i32, i32
  }
  func.func @transform_7(%arg0: i32, %arg1: i32) -> (i32, i32) {
    %mul3A = arith.constant 4 : i32
    %mul3A_0 = arith.muli %arg0, %mul3A : i32
    %add3A = arith.addi %mul3A_0, %arg1 : i32
    %c0_i32 = arith.constant 0 : i32
    %c0_i32_1 = arith.constant 0 : i32
    return %c0_i32, %add3A : i32, i32
  }
}

</mosaic_0001>

<sc_bundles>
// kernel: gather_offload_async_start
scs
__scs_entry_jumppad:
0x0: {  	(pc) =	sbr.rel $0x88, $3  }
0x1: {  	(tag) =	ssettag $0x0;
	lr =	simm.s32 $0x1  }
0x2: {  	[smem:$0x3F9C] =	sst lr;
	_ =	strace $0xD0000000  }
0x3: {  	_ = 	snop  }
0x4: {  	_ = 	snop  }
0x5: {  	_ = 	snop  }
0x6: {  	_ = 	snop  }
0x7: {  	_ = 	snop  }
__scs_overlays_trampoline_lowered:
0x8: {  	[smem:$0x3FAB] =	sst s0  }
0x9: {  	[smem:$0x3FAC] =	sst s1  }
0xa: {  	[smem:$0x3FAD] =	sst s2  }
0xb: {  	[smem:$0x3FAE] =	sst s3  }
0xc: {  	[smem:$0x3FAF] =	sst s4  }
0xd: {  	[smem:$0x3FB0] =	sst s5  }
0xe: {  	[smem:$0x3FB1] =	sst s6  }
0xf: {  	[smem:$0x3FB2] =	sst s7  }
0x10: {  	[smem:$0x3FB3] =	sst s8  }
0x11: {  	[smem:$0x3FB4] =	sst s9;
	s0 =	simm.s32 @!p0 $0x0  }
0x12: {  	s1 =	sld [smem:$0x3F9A];
	s0 =	simm.s32 @p0 $0x1  }
0x13: {  	[smem:$0x3FB5] =	sst s0;
	s0 =	simm.s32 @!p1 $0x0  }
0x14: {  	s2 =	sld [smem:$0x3F99];
	s0 =	simm.s32 @p1 $0x1  }
0x15: {  	[smem:$0x3FB6] =	sst s0;
	s0 =	simm.s32 @!p2 $0x0  }
0x16: {  	s3 =	sld [smem:$0x3FDB];
	s0 =	simm.s32 @p2 $0x1  }
0x17: {  	s4 =	simm.s32 $0x1BF5;
	[smem:$0x3FB8] =	sst s0  }
0x18: {  	s0 =	sld [smem:$0x3F9B];
	_ =	swait.ge [sflag:s4], $0x0  }
0x19: {  	s7 =	sld [smem:$0x3F9C]  }
0x1a: {  	s8 =	sadd.s32 $0xFFFFE003, lr  }
0x1b: {  	s9 =	sadd.s32 $0xFFFFFEF7, lr;
	s5 =	simm.s32 $0xFFFFFFFF;
	p2 =	slt.u32 s8, $0xFFFFF086  }
0x1c: {  	p1 =	slt.u32 s9, $0xF7A;
	s5 =	simm.s32 @!p2 $0x0  }
0x1d: {  	s5 =	simm.s32 @p1 $0x1;
	p0 =	seq.s32 s7, s2  }
0x1e: {  	s7 =	smul.u32 @!p0 $0xF7A, s2;
	p2 =	seq.s32 @!p0 s5, $0x0  }
0x1f: {  	s9 =	smul.u32 $0xF7A, s1;
	s8 =	simm.s32 @!p0 $0x1BF5;
	p2 =	por !p2, p0  }
0x20: {  	[sflag:s8] =	ssyncset.s32 @!p0 $0xFFFFF086;
	s6 =	sadd.s32 @!p0 s3, s7;
	s7 =	simm.s32 @!p0 $0x108  }
0x21: {  	s3 =	sadd.s32 s3, s9;
	s6 =	sadd.s32 @!p0 $0x88, s6;
	s7 =	simm.s32 @p2 $0x1082  }
0x22: {  	[simem:s7], [sflag:s8] =	dma.local @!p0 [hbm:s6], $0xF7A  }
0x23: {  	s9 =	sor.u32 $0xD0000000, s2;
	s6 =	simm.s32 $0x108;
	_ =	swait.ge @!p0 [sflag:s8], $0x0  }
0x24: {  	s3 =	sadd.s32 $0x88, s3;
	s6 =	simm.s32 @!p1 $0x1082;
	[sflag:s4] =	ssyncset.s32 $0xFFFFF086  }
0x25: {  	[simem:s6], [sflag:s4] =	dma.local [hbm:s3], $0xF7A  }
0x26: {  	[smem:$0x3F9C] =	sst s1;
	(tag) =	ssettag s2;
	_ =	strace s9  }
0x27: {  	s1 =	sld [smem:$0x3FAC]  }
0x28: {  	s2 =	sld [smem:$0x3FAD]  }
0x29: {  	s4 =	sld [smem:$0x3FAF]  }
0x2a: {  	p0 =	seq.s32 s5, $0x0;
	s5 =	sld [smem:$0x3FB0]  }
0x2b: {  	s6 =	sld [smem:$0x3FB1]  }
0x2c: {  	s7 =	sld [smem:$0x3FB2]  }
0x2d: {  	s3 =	simm.s32 $0x108;
	s8 =	sld [smem:$0x3FB3]  }
0x2e: {  	s3 =	simm.s32 @!p0 $0x1082;
	s9 =	sld [smem:$0x3FB4]  }
0x2f: {  	lr =	sadd.s32 s0, s3;
	s0 =	sld [smem:$0x3FAB]  }
0x30: {  	s3 =	sld [smem:$0x3FAE]  }
0x31: {  	[smem:$0x3FB7] =	sst s10  }
0x32: {  	s10 =	sld [smem:$0x3FB5];
	_ =	sdelay $0x3  }
0x33: {  	p0 =	seq.s32 s10, $0x1;
	s10 =	sld [smem:$0x3FB7];
	_ =	sdelay $0x3  }
0x34: {  	[smem:$0x3FB7] =	sst s10  }
0x35: {  	s10 =	sld [smem:$0x3FB6];
	_ =	sdelay $0x3  }
0x36: {  	p1 =	seq.s32 s10, $0x1;
	s10 =	sld [smem:$0x3FB7];
	_ =	sdelay $0x3  }
0x37: {  	[smem:$0x3FB7] =	sst s10  }
0x38: {  	s10 =	sld [smem:$0x3FB8]  }
0x39: {  	_ = 	snop;
	(pc) =	sbr.ind lr, $3  }
0x3a: {  	_ = 	snop  }
0x3b: {  	_ = 	snop  }
0x3c: {  	p2 =	seq.s32 s10, $0x1;
	s10 =	sld [smem:$0x3FB7]  }
0x3d: {  	_ =	shalt  }
0x3e: {  	_ =	shalt  }
0x3f: {  	_ =	shalt  }
0x40: {  	_ =	shalt  }
0x41: {  	_ =	shalt  }
0x42: {  	_ =	shalt  }
0x43: {  	_ =	shalt  }
0x44: {  	_ =	shalt  }
0x45: {  	_ =	shalt  }
0x46: {  	_ =	shalt  }
0x47: {  	_ =	shalt  }
0x48: {  	_ =	shalt  }
0x49: {  	_ =	shalt  }
0x4a: {  	_ =	shalt  }
0x4b: {  	_ =	shalt  }
0x4c: {  	_ =	shalt  }
0x4d: {  	_ =	shalt  }
0x4e: {  	_ =	shalt  }
0x4f: {  	_ =	shalt  }
0x50: {  	_ =	shalt  }
0x51: {  	_ =	shalt  }
0x52: {  	_ =	shalt  }
0x53: {  	_ =	shalt  }
0x54: {  	_ =	shalt  }
0x55: {  	_ =	shalt  }
0x56: {  	_ =	shalt  }
0x57: {  	_ =	shalt  }
0x58: {  	_ =	shalt  }
0x59: {  	_ =	shalt  }
0x5a: {  	_ =	shalt  }
0x5b: {  	_ =	shalt  }
0x5c: {  	_ =	shalt  }
0x5d: {  	_ =	shalt  }
0x5e: {  	_ =	shalt  }
0x5f: {  	_ =	shalt  }
0x60: {  	_ =	shalt  }
0x61: {  	_ =	shalt  }
0x62: {  	_ =	shalt  }
0x63: {  	_ =	shalt  }
0x64: {  	_ =	shalt  }
0x65: {  	_ =	shalt  }
0x66: {  	_ =	shalt  }
0x67: {  	_ =	shalt  }
0x68: {  	_ =	shalt  }
0x69: {  	_ =	shalt  }
0x6a: {  	_ =	shalt  }
0x6b: {  	_ =	shalt  }
0x6c: {  	_ =	shalt  }
0x6d: {  	_ =	shalt  }
0x6e: {  	_ =	shalt  }
0x6f: {  	_ =	shalt  }
0x70: {  	_ =	shalt  }
0x71: {  	_ =	shalt  }
0x72: {  	_ =	shalt  }
0x73: {  	_ =	shalt  }
0x74: {  	_ =	shalt  }
0x75: {  	_ =	shalt  }
0x76: {  	_ =	shalt  }
0x77: {  	_ =	shalt  }
0x78: {  	_ =	shalt  }
0x79: {  	_ =	shalt  }
0x7a: {  	_ =	shalt  }
0x7b: {  	_ =	shalt  }
0x7c: {  	_ =	shalt  }
0x7d: {  	_ =	shalt  }
0x7e: {  	_ =	shalt  }
0x7f: {  	_ =	shalt  }
0x80: {  	_ =	shalt  }
0x81: {  	_ =	shalt  }
0x82: {  	_ =	shalt  }
0x83: {  	_ =	shalt  }
0x84: {  	_ =	shalt  }
0x85: {  	_ =	shalt  }
0x86: {  	_ =	shalt  }
0x87: {  	_ =	shalt  }
.Lfunc_end0:
.L_simem_size_0:
called_computation_lowered:
.L_overlay_start_0:
0x88: {  	s2 =	sld [smem:$0x3FD9]  }
0x89: {  	s3 =	sld [smem:$0x3FFE];
	_ =	sdelay $0x1  }
0x8a: {  	s1 =	srdreg.scid  }
0x8b: {  	s0 =	sand.u32 $0x1, s1  }
0x8c: {  	s17 =	sshll.u32 s0, $0xA;
	s2 =	sadd.s32 s3, s2  }
0x8d: {  	s2 =	sadd.s32 s2, s17  }
0x8e: {  	[smem:$0x3FC3] =	sst s2  }
0x8f: {  	_ = 	snop  }
0x90: {  	s2 =	sld [smem:$0x3FD0];
	(tm) =	ssettm $0x1  }
0x91: {  	s18 =	sld [smem:$0x3FFB];
	_ =	sdelay $0x3  }
0x92: {  	_ =	strace s18  }
0x93: {  	s3 =	sld [smem:$0x3FFC];
	_ =	sdelay $0x3  }
0x94: {  	_ =	strace s3  }
0x95: {  	s3 =	sld [smem:$0x3FFD];
	_ =	sdelay $0x3  }
0x96: {  	_ =	strace s3  }
0x97: {  	_ =	strace $0x8FFFFFFF  }
0x98: {  	s19 =	sld [smem:$0x3FDB];
	_ =	sdelay $0x1  }
0x99: {  	s4 =	simm.s32 $_scs_section_size  }
0x9a: {  	s5 =	simm.s32 $_size__tile_overlayer_lowered;
	s6 =	simm.s32 $_tile_overlayer_lowered  }
0x9b: {  	s22 =	simm.s32 $0x1BFF;
	s21 =	sshll.u32 s6, $0x1;
	s3 =	sadd.s32 s4, s19  }
0x9c: {  	s7 =	simm.s32 $0x0;
	s20 =	sshll.u32 s5, $0x1;
	s5 =	sadd.s32 s21, s3  }
0x9d: {  	[timem:s7], [sflag:s22] =	dma.local [hbm:s5], s20  }
0x9e: {  	_ =	swait.ge [sflag:s22], s20  }
0x9f: {  	s4 =	ssub.s32 $0x0, s20;
	[sflag:s22] =	ssyncset.done $0x0  }
0xa0: {  	[sflag:s22] =	ssyncadd.s32 s4;
	_ =	sdelay $0x1  }
0xa1: {  	s23 =	simm.s32 $0x1B8B  }
0xa2: {  	_ =	swait.ge [sflag:s23], $0x1  }
0xa3: {  	[sflag:s23] =	ssyncset.done $0x0  }
0xa4: {  	s25 =	simm.s32 $0x1B8E;
	s24 =	sld [smem:$0x3FFE];
	[sflag:s23] =	ssyncadd.s32 $0xFFFFFFFF  }
0xa5: {  	s26 =	simm.s32 $execute0_lowered;
	[smem:$0x3FD2] =	sst s25  }
0xa6: {  	s5 =	sshll.u32 s26, $0x1;
	_ =	strace $0x80000046;
	[dreg:$0x1] =	wrdreg $0xFFFFFFFF  }
0xa7: {  	s28 =	simm.s32 $_size_execute0_lowered;
	s3 =	sadd.s32 s3, s5;
	[dreg:$0x0] =	wrdreg $0x0  }
0xa8: {  	s5 =	sshll.u32 s28, $0x1;
	[dreg:$0x2] =	wrdreg s3  }
0xa9: {  	[dreg:$0x3] =	wrdreg s5  }
0xaa: {  	[dreg:$0x4] =	wrdreg $0xC0  }
0xab: {  	_ =	task [dreg:s7], $0x5FFFF  }
0xac: {  	[dreg:$0x1] =	wrdreg $0xFFFFFFFF  }
0xad: {  	[dreg:$0x0] =	wrdreg $0x60  }
0xae: {  	[dreg:$0x2] =	wrdreg s24  }
0xaf: {  	[dreg:$0x3] =	wrdreg s2  }
0xb0: {  	[dreg:$0x4] =	wrdreg $0x9  }
0xb1: {  	_ =	task.clear_ibuf [dreg:s7], $0x5FFFF;
	_ =	strace $0x90000046  }
0xb2: {  	s29 =	simm.s32 $0x9;
	_ =	strace $0x80000048  }
0xb3: {  	_ =	swait.ge [sflag:s29], $0x1  }
0xb4: {  	[sflag:s29] =	ssyncadd.s32 $0xFFFFFFFF  }
0xb5: {  	_ =	strace $0x90000048  }
0xb6: {  	_ =	sfence  }
0xb7: {  	s30 =	sld [smem:$0x0];
	_ =	sdelay $0x2  }
0xb8: {  	s31 =	sshll.u32 s1, $0xD;
	s1 =	sshrl.u32 s1, $0x2  }
0xb9: {  	s3 =	sand.u32 $0x4000, s31;
	s1 =	sadd.s32 s1, s30  }
0xba: {  	s0 =	sor.u32 s3, s0;
	s1 =	sshll.u32 s1, $0x11  }
0xbb: {  	s0 =	sor.u32 s1, s0  }
0xbc: {  	s0 =	sadd.s32 $0x8F2B, s0  }
0xbd: {  	[sflag:s0] =	ssyncadd.remote.s32 $0x1  }
0xbe: {  	_ =	sfence.sel $0xFFFF  }
0xbf: {  	[dreg:$0x0] =	wrdreg $0xFFFFFFFF;
	(pc) =	sbr.abs _section_cstart, $3  }
0xc0: {  	[dreg:$0x1] =	wrdreg $0xFFFFFFFF  }
0xc1: {  	_ =	task.clear_ibuf [dreg:s7], $0x2FFFF;
	_ =	strace $0x9FFFFFFF  }
0xc2: {  	(tm) =	ssettm $0x7FFFFFFF  }
0xc3: {  	_ =	shalt  }
tec
execute0_lowered:
.L_overlay_start_1:
0x0: {  	(tag) =	ssettag $0x1  }
0x1: {  	s2 =	rddreg [dreg:$0x0]  }
0x2: {  	s3 =	rddreg [dreg:$0x1]  }
0x3: {  	s0 =	rddreg [dreg:$0x2];
	s1 =	srdreg.scid;
	_ =	strace $0x80000047  }
0x4: {  	s4 =	simm.s32 $0x1;
	s9 =	simm.s32 $0x3;
	s5 =	sshll.u32 s1, $0x4  }
.Ltmp0:
0x5: {  	s1 =	stileid.u32;
	s5 =	sand.u32 $0x10, s5;
	(pc) =	sbr.rel .LBB2_1-.Ltmp0, $4  }
0x6: {  	s11 =	simm.s32 $0x0;
	p0 =	por $0x0, $0x0;
	s6 =	sor.u32 s1, s5  }
0x7: {  	[sflag:s4] =	ssyncpa.u1 $0x0;
	s5 =	simm.s32 $0x2;
	s6 =	sshll.u32 s6, $0x7  }
0x8: {  	s7 =	sadd.s32 $0x40000, s2;
	[sflag:s5] =	ssyncpa.u1 $0x0;
	s8 =	sadd.s32 $0x80, s6  }
0x9: {  	vm0 =	vmmov $0xffff;
	[sflag:s9] =	ssyncpa.u1 $0x0;
	s10 =	smov.u32 s6;
	s9 =	simm.s32 $0x0  }
.LBB2_7:
0xa: {  	p1 =	slt.u32 s9, $0x2;
	s11 =	sadd.s32 $0x40, s10  }
0xb: {  	s13 =	smov.u32 s6;
	s9 =	sadd.s32 $0x1, s9;
	p2 =	slt.s32 s11, s8  }
0xc: {  	s13 =	smov.u32 @p2 s11;
	p2 =	sne.s32 s9, $0x4  }
.Ltmp1:
0xd: {  	_ = 	snop;
	(pc) =	sbr.rel @!p2 .LBB2_8-.Ltmp1, $4  }
0xe: {  	s12 =	simm.s32 @!p1 $0x3  }
0xf: {  	_ =	swait.ge @!p1 [sflag:s12], $0x8000  }
0x10: {  	p0 =	por !p0, !p0;
	[sflag:s12] =	ssyncset.done @!p1 $0x0  }
0x11: {  	s11 =	smov.u32 s10;
	s10 =	smov.u32 s13;
	[sflag:s12] =	ssyncadd.s32 @!p1 $0xFFFF8000  }
.LBB2_1:
0x12: {  	p1 =	sgt.u32 s9, $0x1  }
0x13: {  	s12 =	sshll.u32 @!p1 s9, $0x6;
	s13 =	sshrl.u32 @!p1 s10, $0x3  }
0x14: {  	s14 =	sand.u32 @!p1 $0x7, s10;
	s12 =	sxor.u32 @!p1 $0x40, s12;
	s13 =	sadd.s32 @!p1 s3, s13  }
0x15: {  	[tilespmem:s12], [sflag:$0x2] =	stream.linear.gather @!p1 [hbm4b:s13+s14], $0x40, $0x38;
	[tilespmem:$0x10080] =	vst v63  }
0x16: {  	p1 =	seq.s32 s9, $0x0  }
0x17: {  	p2 =	seq.s32 @!p1 s9, $0x3  }
0x18: {  	p1 =	por p1, p2  }
.Ltmp2:
0x19: {  	_ = 	snop;
	(pc) =	sbr.rel @p1 .LBB2_7-.Ltmp2, $1  }
0x1a: {  	_ =	sdelay $0x3  }
0x1b: {  	s12 =	simm.s32 $0x1  }
0x1c: {  	_ =	swait.ge [sflag:s5], $0x40;
	s12 =	simm.s32 @!p0 $0x0  }
0x1d: {  	[sflag:s5] =	ssyncset.done $0x0;
	s13 =	sshll.u32 s12, $0x6  }
0x1e: {  	[sflag:s5] =	ssyncadd.s32 $0xFFFFFFC0;
	s14 =	sadd.s32 $0x0, s13  }
0x1f: {  	v0 =	vld.msk [tilespmem:s14+$0x0 ss:$0x1], $0xffff;
	_ =	sdelay $0x4  }
0x20: {  	vm1 =	vgt.s32 v0, $0x0  }
0x21: {  	v0 =	vnsel vm1, $0x0, v0  }
0x22: {  	v0 =	vmin.u32 v0, $0xFFF  }
0x23: {  	v0 =	vshll.u32 v0, $0x6;
	_ =	sdelay $0x2  }
0x24: {  	s12 =	sshll.u32 s12, $0xF  }
0x25: {  	s12 =	sor.u32 $0x80, s12;
	s31 =	sadd.s32 $0x10, s13  }
0x26: {  	[tilespmem:s12], [sflag:$0x1] =	stream.indirect_vreg.gather [hbm:s2], $0x200, v0, vm0, $0x38;
	[tilespmem:$0x10080] =	vst v63  }
0x27: {  	s15 =	simm.s32 $0x80;
	s14 =	smov.u32 s12;
	v0 =	vld.msk [tilespmem:s31+$0x0 ss:$0x1], $0xffff  }
.LBB2_3:
0x28: {  	p1 =	sne.s32 s15, $0xC0;
	_ =	sdelay $0x4  }
0x29: {  	vm1 =	vgt.s32 v0, $0x0  }
0x2a: {  	v0 =	vnsel vm1, $0x0, v0  }
0x2b: {  	v0 =	vmin.u32 v0, $0xFFF  }
0x2c: {  	v0 =	vshll.u32 v0, $0x6;
	_ =	sdelay $0x1  }
.Ltmp3:
0x2d: {  	(pc) =	sbr.rel @p1 .LBB2_3-.Ltmp3, $4  }
0x2e: {  	s16 =	sshra.s32 s15, $0x2  }
0x2f: {  	s14 =	sadd.s32 $0x2000, s14;
	s16 =	sadd.s32 s16, s13  }
0x30: {  	[tilespmem:s14], [sflag:$0x1] =	stream.indirect_vreg.gather [hbm:s2], $0x200, v0, vm0, $0x38;
	[tilespmem:$0x10080] =	vst v63  }
0x31: {  	s15 =	sadd.s32 $0x40, s15;
	v0 =	vld.msk [tilespmem:s16+$0x0 ss:$0x1], $0xffff  }
0x32: {  	_ =	sdelay $0x3  }
0x33: {  	vm1 =	vgt.s32 v0, $0x0  }
0x34: {  	v0 =	vnsel vm1, $0x0, v0  }
0x35: {  	v0 =	vmin.u32 v0, $0xFFF  }
0x36: {  	v0 =	vshll.u32 v0, $0x6;
	_ =	sdelay $0x3  }
0x37: {  	s13 =	sadd.s32 $0x2000, s14  }
0x38: {  	[tilespmem:s13], [sflag:$0x1] =	stream.indirect_vreg.gather [hbm:s2], $0x200, v0, vm0, $0x38;
	[tilespmem:$0x10080] =	vst v63  }
0x39: {  	s11 =	sshll.u32 s11, $0x6;
	_ =	swait.ge [sflag:s4], $0x8000  }
0x3a: {  	s14 =	sadd.s32 $0x200, s12;
	s11 =	sadd.s32 s11, s7;
	[sflag:s4] =	ssyncset.done $0x0  }
0x3b: {  	s15 =	sadd.s32 $0x0, s11;
	s13 =	simm.s32 $0x40;
	[sflag:s4] =	ssyncadd.s32 $0xFFFF8000  }
.LBB2_5:
0x3c: {  	[hbm:s15] =	stream.linear.scatter [tilespmem:s12], [sflag:$0x3], $0x200, $0x38;
	[tilespmem:$0x10080] =	vst v63  }
0x3d: {  	s15 =	smov.u32 s13;
	s12 =	smov.u32 s14;
	p1 =	sne.s32 s13, $0xFC0  }
.Ltmp4:
0x3e: {  	s13 =	sadd.s32 $0x40, s13;
	(pc) =	sbr.rel @p1 .LBB2_5-.Ltmp4, $2  }
0x3f: {  	_ =	sdelay $0x2  }
0x40: {  	s14 =	sadd.s32 $0x200, s14;
	s15 =	sadd.s32 s15, s11  }
.Ltmp5:
0x41: {  	(pc) =	sbr.rel .LBB2_7-.Ltmp5, $2  }
0x42: {  	_ =	sdelay $0x2  }
0x43: {  	[hbm:s15] =	stream.linear.scatter [tilespmem:s12], [sflag:$0x3], $0x200, $0x38;
	[tilespmem:$0x10080] =	vst v63  }
.LBB2_8:
0x44: {  	_ =	sfence.sel $0x180000  }
0x45: {  	s2 =	simm.s32 $0x2;
	[bflag:$0x0] =	sbarrier.arrive $0xFFFF  }
0x46: {  	s30 =	simm.s32 $0x3;
	[sflag:s2] =	ssyncpa.u1 $0x1  }
0x47: {  	s31 =	simm.s32 $0x1;
	[sflag:s30] =	ssyncpa.u1 $0x1  }
0x48: {  	[sflag:s31] =	ssyncpa.u1 $0x1  }
0x49: {  	p0 =	sne.s32 s1, $0x0;
	_ =	strace $0x90000047  }
0x4a: {  	s0 =	sadd.s32 @!p0 $0x100000, s0;
	[bflag:$0x2] =	sbarrier.arrive $0xFFFF  }
0x4b: {  	[sflag:s0] =	ssyncadd.tile.s32 @!p0 $0x1;
	_ =	shalt  }
.Lfunc_end2:
_tile_overlayer_lowered:
.L_overlay_start_2:
0x4c: {  	(tag) =	ssettag $0x2  }
0x4d: {  	s0 =	rddreg [dreg:$0x0];
	s2 =	stileid.u32  }
0x4e: {  	s1 =	rddreg [dreg:$0x1];
	p0 =	sne.s32 s2, $0x0  }
0x4f: {  	s3 =	rddreg [dreg:$0x2];
	[bflag:$0x3] =	sbarrier.arrive $0xFFFF;
	s2 =	simm.s32 @!p0 $0x1C01  }
0x50: {  	[timem:s3], [sflag:s2] =	dma.local @!p0 [hbm:s0], s1  }
0x51: {  	s0 =	simm.s32 @!p0 $0x1  }
0x52: {  	_ =	swait.ge @!p0 [sflag:s0], s1  }
0x53: {  	s1 =	ssub.s32 @!p0 $0x0, s1;
	[sflag:s0] =	ssyncset.done @!p0 $0x0  }
0x54: {  	[sflag:s0] =	ssyncadd.s32 @!p0 s1  }
0x55: {  	[bflag:$0x3] =	sbarrier.arrive $0xFFFF  }
0x56: {  	_ =	shalt  }

</sc_bundles>
